<compile_context>
chip_gen: v7x
topology: tpu7x:2x2x1
jax: 0.10.2.dev20260603
libtpu: 0.0.44.dev20260713+nightly
codegen_flags: <defaults>
</compile_context>

<pallas_src>
import functools

import jax
import jax.numpy as jnp
from jax import lax
from jax.experimental import pallas as pl
from jax.experimental.pallas import tpu as pltpu
from jax.experimental.pallas import tpu_sc as plsc

_D = 128
_TD = _D * _D
_L = 16
_NCH = _D // _L


def _mvtf_view3_sc(user, attempt, item, user_factors, time_factors,
                   item_factors, tb1, dub1, dib1):
  mesh = plsc.VectorSubcoreMesh(core_axis_name="c", subcore_axis_name="s",
                                num_cores=1)

  @functools.partial(
      pl.kernel,
      out_type=jax.ShapeDtypeStruct((1,), jnp.float32),
      mesh=mesh,
      compiler_params=pltpu.CompilerParams(needs_layout_passes=False),
      scratch_types=[
          pltpu.VMEM((_L,), jnp.int32),
          pltpu.VMEM((_L,), jnp.int32),
          pltpu.VMEM((_L,), jnp.int32),
          pltpu.VMEM((1, _D), jnp.float32),
          pltpu.VMEM((1, _TD), jnp.float32),
          pltpu.VMEM((1, _D), jnp.float32),
          pltpu.VMEM((_L,), jnp.float32),
          pltpu.VMEM((_L,), jnp.float32),
          pltpu.VMEM((_L,), jnp.float32),
          pltpu.VMEM((_L,), jnp.float32),
          pltpu.SemaphoreType.DMA,
      ],
  )
  def run(user_h, attempt_h, item_h, uf_h, tf_h, if_h, tb_h, dub_h, dib_h,
          out_h, ui_v, ai_v, ii_v, u_v, t_v, i_v, bu_v, bt_v, bi_v, res_v,
          sem):
    tile0 = jnp.logical_and(lax.axis_index("c") == 0, lax.axis_index("s") == 0)

    @pl.when(tile0)
    def _():
      idx_cps = [
          pltpu.async_copy(user_h, ui_v.at[pl.ds(0, 1)], sem),
          pltpu.async_copy(attempt_h, ai_v.at[pl.ds(0, 1)], sem),
          pltpu.async_copy(item_h, ii_v.at[pl.ds(0, 1)], sem),
      ]
      for cp in idx_cps:
        cp.wait()

      cps = [
          pltpu.async_copy(uf_h.at[ui_v.at[pl.ds(0, 1)]], u_v, sem),
          pltpu.async_copy(tf_h.at[ai_v.at[pl.ds(0, 1)]], t_v, sem),
          pltpu.async_copy(if_h.at[ii_v.at[pl.ds(0, 1)]], i_v, sem),
          pltpu.async_copy(dub_h.at[ui_v.at[pl.ds(0, 1)]],
                           bu_v.at[pl.ds(0, 1)], sem),
          pltpu.async_copy(tb_h.at[ai_v.at[pl.ds(0, 1)]],
                           bt_v.at[pl.ds(0, 1)], sem),
          pltpu.async_copy(dib_h.at[ii_v.at[pl.ds(0, 1)]],
                           bi_v.at[pl.ds(0, 1)], sem),
      ]
      for cp in cps:
        cp.wait()

      def outer(c, acc):
        uc = u_v[0, pl.ds(c * _L, _L)]

        def inner(l, acc_i):
          ub = uc.at[jnp.broadcast_to(l, (_L,))].get(mode="promise_in_bounds")
          base = (c * _L + l) * _D
          return tuple(
              acc_i[k] + ub * t_v[0, pl.ds(base + k * _L, _L)]
              for k in range(_NCH))

        return lax.fori_loop(0, _L, inner, acc)

      acc0 = tuple(jnp.zeros((_L,), jnp.float32) for _ in range(_NCH))
      w = lax.fori_loop(0, _NCH, outer, acc0)
      s = jnp.zeros((_L,), jnp.float32)
      for k in range(_NCH):
        s = s + w[k] * i_v[0, pl.ds(k * _L, _L)]
      lane = lax.iota(jnp.int32, _L)
      zf = jnp.zeros((_L,), jnp.float32)
      s = s + jnp.where(lane == 0, bu_v[...] + bt_v[...] + bi_v[...], zf)
      pv = jnp.broadcast_to(plsc.cumsum(s)[_L - 1], (_L,))
      res_v[...] = 1.0 / (1.0 + jnp.exp(-pv))
      pltpu.sync_copy(res_v.at[pl.ds(0, 1)], out_h)

  return run(user, attempt, item, user_factors, time_factors, item_factors,
             tb1, dub1, dib1)


def kernel(user, attempt, item, view, user_factors, time_factors, item_factors,
           stress_item_factor, time_biases, stress_user_biases,
           stress_item_biases, rate_user_biases, rate_item_biases,
           done_user_biases, done_item_biases):
  del view, stress_item_factor, stress_user_biases, stress_item_biases
  del rate_user_biases, rate_item_biases
  return _mvtf_view3_sc(
      user.astype(jnp.int32), attempt.astype(jnp.int32),
      item.astype(jnp.int32), user_factors, time_factors, item_factors,
      time_biases.reshape(-1), done_user_biases.reshape(-1),
      done_item_biases.reshape(-1))

# --- scband reference (transcript-rebuilt; emitter-appended) ---
"""Pipeline reference for scband-mvtf-torch-17136919511107 (READ-ONLY COPY).

The authoritative reference and input builder live on the scoring server;
editing this copy changes nothing except your own understanding.
"""

import jax, jax.numpy as jnp
import numpy as np

N_USERS = 100000
N_ATTEMPTS = 200
N_ITEMS = 100000
N_FACTORS = 128


def setup_inputs(seed: int = 0) -> dict:
    key = jax.random.key(seed)
    ks = jax.random.split(key, 16)
    inp = {}
    inp['user'] = jax.random.randint(ks[0], (1,), 0, N_USERS).astype(jnp.int64) if jax.config.jax_enable_x64 else jax.random.randint(ks[0], (1,), 0, N_USERS)
    inp['attempt'] = jax.random.randint(ks[1], (1,), 0, N_ATTEMPTS)
    inp['item'] = jax.random.randint(ks[2], (1,), 0, N_ITEMS)
    inp['view'] = 3
    inp['user_factors'] = jax.random.normal(ks[3], (N_USERS, N_FACTORS), dtype=jnp.float32)
    inp['time_factors'] = jax.random.normal(ks[4], (N_ATTEMPTS, N_FACTORS * N_FACTORS), dtype=jnp.float32)
    inp['item_factors'] = jax.random.normal(ks[5], (N_ITEMS, N_FACTORS), dtype=jnp.float32)
    inp['stress_item_factor'] = jax.random.normal(ks[6], (1, N_FACTORS), dtype=jnp.float32)
    inp['time_biases'] = jax.random.normal(ks[7], (N_ATTEMPTS, 1), dtype=jnp.float32)
    inp['stress_user_biases'] = jax.random.normal(ks[8], (N_USERS, 1), dtype=jnp.float32)
    inp['stress_item_biases'] = jax.random.normal(ks[9], (1, 1), dtype=jnp.float32)
    inp['rate_user_biases'] = jax.random.normal(ks[10], (N_USERS, 1), dtype=jnp.float32)
    inp['rate_item_biases'] = jax.random.normal(ks[11], (N_ITEMS, 1), dtype=jnp.float32)
    inp['done_user_biases'] = jax.random.normal(ks[12], (N_USERS, 1), dtype=jnp.float32)
    inp['done_item_biases'] = jax.random.normal(ks[13], (N_ITEMS, 1), dtype=jnp.float32)
    return inp


def reference(user, attempt, item, view, user_factors, time_factors, item_factors,
              stress_item_factor, time_biases, stress_user_biases, stress_item_biases,
              rate_user_biases, rate_item_biases, done_user_biases, done_item_biases):
    def _view1(_):
        u_factor = jnp.take(user_factors, user, axis=0)[0]
        t_factor = jnp.take(time_factors, attempt, axis=0)[0]
        t_matrix = t_factor.reshape(N_FACTORS, N_FACTORS)
        stress = (jnp.take(stress_user_biases, user, axis=0).squeeze()
                  + jnp.take(time_biases, attempt, axis=0).squeeze()
                  + stress_item_biases[0].squeeze())
        stress = stress + jnp.dot(jnp.matmul(u_factor, t_matrix), stress_item_factor[0])
        stress = jax.nn.sigmoid(stress) * 5.0
        return stress[None]

    def _view2(_):
        u_factor = jnp.take(user_factors, user, axis=0)[0]
        i_factor = jnp.take(item_factors, item, axis=0)[0]
        rate = (jnp.take(rate_user_biases, user, axis=0).squeeze()
                + jnp.take(rate_item_biases, item, axis=0).squeeze())
        rate = rate + jnp.dot(u_factor, i_factor)
        rate = jax.nn.sigmoid(rate) * 5.0
        return rate[None]

    def _view3(_):
        u_factor = jnp.take(user_factors, user, axis=0)[0]
        t_factor = jnp.take(time_factors, attempt, axis=0)[0]
        t_matrix = t_factor.reshape(N_FACTORS, N_FACTORS)
        i_factor = jnp.take(item_factors, item, axis=0)[0]
        pred = (jnp.take(done_user_biases, user, axis=0).squeeze()
                + jnp.take(time_biases, attempt, axis=0).squeeze()
                + jnp.take(done_item_biases, item, axis=0).squeeze())
        pred = pred + jnp.dot(jnp.matmul(u_factor, t_matrix), i_factor)
        return jax.nn.sigmoid(pred)[None]

    return jax.lax.switch(jnp.asarray(view) - 1, (_view1, _view2, _view3), None)

if __name__ == "__main__":
    import jax
    _d = setup_inputs()
    print(jax.jit(kernel)(*tuple(_d.values())))

</pallas_src>

<mosaic_0001>
#map = affine_map<(d0, d1) -> (0)>
#map1 = affine_map<(d0, d1) -> (0, 0)>
module attributes {stable_mosaic.version = 14 : i64} {
  func.func @run(%arg0: i32, %arg1: i32, %arg2: memref<1xi32, #tpu.memory_space<hbm>>, %arg3: memref<1xi32, #tpu.memory_space<hbm>>, %arg4: memref<1xi32, #tpu.memory_space<hbm>>, %arg5: memref<100000x128xf32, #tpu.memory_space<hbm>>, %arg6: memref<200x16384xf32, #tpu.memory_space<hbm>>, %arg7: memref<100000x128xf32, #tpu.memory_space<hbm>>, %arg8: memref<200xf32, #tpu.memory_space<hbm>>, %arg9: memref<100000xf32, #tpu.memory_space<hbm>>, %arg10: memref<100000xf32, #tpu.memory_space<hbm>>, %arg11: memref<1xf32, #tpu.memory_space<hbm>>, %arg12: memref<16xi32, #tpu.memory_space<vmem>>, %arg13: memref<16xi32, #tpu.memory_space<vmem>>, %arg14: memref<16xi32, #tpu.memory_space<vmem>>, %arg15: memref<1x128xf32, #tpu.memory_space<vmem>>, %arg16: memref<1x16384xf32, #tpu.memory_space<vmem>>, %arg17: memref<1x128xf32, #tpu.memory_space<vmem>>, %arg18: memref<16xf32, #tpu.memory_space<vmem>>, %arg19: memref<16xf32, #tpu.memory_space<vmem>>, %arg20: memref<16xf32, #tpu.memory_space<vmem>>, %arg21: memref<16xf32, #tpu.memory_space<vmem>>, %arg22: memref<!tpu.dma_semaphore, #tpu.memory_space<semaphore_mem>>) attributes {dimension_semantics = [#tpu.dimension_semantics<core_parallel>, #tpu.dimension_semantics<subcore_parallel>], iteration_bounds = array<i64: 1, 16>, scalar_prefetch = 0 : i64, scratch_operands = 11 : i64, tpu.core_type = #tpu.core_type<sc_vector_subcore>, window_params = [{transform_indices = #map}, {transform_indices = #map}, {transform_indices = #map}, {transform_indices = #map1}, {transform_indices = #map1}, {transform_indices = #map1}, {transform_indices = #map}, {transform_indices = #map}, {transform_indices = #map}, {transform_indices = #map}]} {
    %eq3A = arith.constant 0 : i32
    %eq3A_0 = arith.cmpi eq, %arg0, %eq3A : i32
    %eq3A_1 = arith.constant 0 : i32
    %eq3A_2 = arith.cmpi eq, %arg1, %eq3A_1 : i32
    %and3A = arith.andi %eq3A_0, %eq3A_2 : i1
    %convert_element_type3A = arith.extui %and3A : i1 to i32
    %cond3A = arith.constant 0 : i32
    %cond3A_3 = arith.cmpi ne, %convert_element_type3A, %cond3A : i32
    scf.if %cond3A_3 {
      %dma_start3A = arith.constant 0 : i32
      %dma_start3A_4 = tpu.memref_slice %arg12[%dma_start3A] : memref<16xi32, #tpu.memory_space<vmem>> -> memref<1xi32, #tpu.memory_space<vmem>>
      %dma_start3A_5 = arith.constant 0 : i32
      %dma_start3A_6 = tpu.memref_slice %arg12[%dma_start3A_5] : memref<16xi32, #tpu.memory_space<vmem>> -> memref<1xi32, #tpu.memory_space<vmem>>
      tpu.enqueue_dma source(%arg2 : memref<1xi32, #tpu.memory_space<hbm>>) target(%dma_start3A_6 : memref<1xi32, #tpu.memory_space<vmem>>) target_semaphore(%arg22 : memref<!tpu.dma_semaphore, #tpu.memory_space<semaphore_mem>>)
      %dma_start3A_7 = arith.constant 0 : i32
      %dma_start3A_8 = tpu.memref_slice %arg13[%dma_start3A_7] : memref<16xi32, #tpu.memory_space<vmem>> -> memref<1xi32, #tpu.memory_space<vmem>>
      %dma_start3A_9 = arith.constant 0 : i32
      %dma_start3A_10 = tpu.memref_slice %arg13[%dma_start3A_9] : memref<16xi32, #tpu.memory_space<vmem>> -> memref<1xi32, #tpu.memory_space<vmem>>
      tpu.enqueue_dma source(%arg3 : memref<1xi32, #tpu.memory_space<hbm>>) target(%dma_start3A_10 : memref<1xi32, #tpu.memory_space<vmem>>) target_semaphore(%arg22 : memref<!tpu.dma_semaphore, #tpu.memory_space<semaphore_mem>>)
      %dma_start3A_11 = arith.constant 0 : i32
      %dma_start3A_12 = tpu.memref_slice %arg14[%dma_start3A_11] : memref<16xi32, #tpu.memory_space<vmem>> -> memref<1xi32, #tpu.memory_space<vmem>>
      %dma_start3A_13 = arith.constant 0 : i32
      %dma_start3A_14 = tpu.memref_slice %arg14[%dma_start3A_13] : memref<16xi32, #tpu.memory_space<vmem>> -> memref<1xi32, #tpu.memory_space<vmem>>
      tpu.enqueue_dma source(%arg4 : memref<1xi32, #tpu.memory_space<hbm>>) target(%dma_start3A_14 : memref<1xi32, #tpu.memory_space<vmem>>) target_semaphore(%arg22 : memref<!tpu.dma_semaphore, #tpu.memory_space<semaphore_mem>>)
      %dma_wait3A = arith.constant 0 : i32
      %dma_wait3A_15 = tpu.memref_slice %arg12[%dma_wait3A] : memref<16xi32, #tpu.memory_space<vmem>> -> memref<1xi32, #tpu.memory_space<vmem>>
      %dma_wait3A_16 = arith.constant 0 : i32
      %dma_wait3A_17 = tpu.memref_slice %arg12[%dma_wait3A_16] : memref<16xi32, #tpu.memory_space<vmem>> -> memref<1xi32, #tpu.memory_space<vmem>>
      tpu.wait_dma2 semaphore(%arg22 : memref<!tpu.dma_semaphore, #tpu.memory_space<semaphore_mem>>) src(%arg2 : memref<1xi32, #tpu.memory_space<hbm>>) dst(%dma_wait3A_17 : memref<1xi32, #tpu.memory_space<vmem>>)
      %dma_wait3A_18 = arith.constant 0 : i32
      %dma_wait3A_19 = tpu.memref_slice %arg13[%dma_wait3A_18] : memref<16xi32, #tpu.memory_space<vmem>> -> memref<1xi32, #tpu.memory_space<vmem>>
      %dma_wait3A_20 = arith.constant 0 : i32
      %dma_wait3A_21 = tpu.memref_slice %arg13[%dma_wait3A_20] : memref<16xi32, #tpu.memory_space<vmem>> -> memref<1xi32, #tpu.memory_space<vmem>>
      tpu.wait_dma2 semaphore(%arg22 : memref<!tpu.dma_semaphore, #tpu.memory_space<semaphore_mem>>) src(%arg3 : memref<1xi32, #tpu.memory_space<hbm>>) dst(%dma_wait3A_21 : memref<1xi32, #tpu.memory_space<vmem>>)
      %dma_wait3A_22 = arith.constant 0 : i32
      %dma_wait3A_23 = tpu.memref_slice %arg14[%dma_wait3A_22] : memref<16xi32, #tpu.memory_space<vmem>> -> memref<1xi32, #tpu.memory_space<vmem>>
      %dma_wait3A_24 = arith.constant 0 : i32
      %dma_wait3A_25 = tpu.memref_slice %arg14[%dma_wait3A_24] : memref<16xi32, #tpu.memory_space<vmem>> -> memref<1xi32, #tpu.memory_space<vmem>>
      tpu.wait_dma2 semaphore(%arg22 : memref<!tpu.dma_semaphore, #tpu.memory_space<semaphore_mem>>) src(%arg4 : memref<1xi32, #tpu.memory_space<hbm>>) dst(%dma_wait3A_25 : memref<1xi32, #tpu.memory_space<vmem>>)
      %dma_start3A_26 = arith.constant 0 : i32
      %dma_start3A_27 = tpu.memref_slice %arg12[%dma_start3A_26] : memref<16xi32, #tpu.memory_space<vmem>> -> memref<1xi32, #tpu.memory_space<vmem>>
      %dma_start3A_28 = arith.constant 0 : i32
      %dma_start3A_29 = arith.constant 0 : i32
      %dma_start3A_30 = tpu.memref_slice %arg5[%dma_start3A_28, %dma_start3A_29] : memref<100000x128xf32, #tpu.memory_space<hbm>> -> memref<100000x128xf32, #tpu.memory_space<hbm>>
      tpu.enqueue_indirect_dma source(%dma_start3A_30 : memref<100000x128xf32, #tpu.memory_space<hbm>>) target(%arg15 : memref<1x128xf32, #tpu.memory_space<vmem>>) offsets(%dma_start3A_27 : memref<1xi32, #tpu.memory_space<vmem>>) semaphore(%arg22 : memref<!tpu.dma_semaphore, #tpu.memory_space<semaphore_mem>>)
      %dma_start3A_31 = arith.constant 0 : i32
      %dma_start3A_32 = tpu.memref_slice %arg13[%dma_start3A_31] : memref<16xi32, #tpu.memory_space<vmem>> -> memref<1xi32, #tpu.memory_space<vmem>>
      %dma_start3A_33 = arith.constant 0 : i32
      %dma_start3A_34 = arith.constant 0 : i32
      %dma_start3A_35 = tpu.memref_slice %arg6[%dma_start3A_33, %dma_start3A_34] : memref<200x16384xf32, #tpu.memory_space<hbm>> -> memref<200x16384xf32, #tpu.memory_space<hbm>>
      tpu.enqueue_indirect_dma source(%dma_start3A_35 : memref<200x16384xf32, #tpu.memory_space<hbm>>) target(%arg16 : memref<1x16384xf32, #tpu.memory_space<vmem>>) offsets(%dma_start3A_32 : memref<1xi32, #tpu.memory_space<vmem>>) semaphore(%arg22 : memref<!tpu.dma_semaphore, #tpu.memory_space<semaphore_mem>>)
      %dma_start3A_36 = arith.constant 0 : i32
      %dma_start3A_37 = tpu.memref_slice %arg14[%dma_start3A_36] : memref<16xi32, #tpu.memory_space<vmem>> -> memref<1xi32, #tpu.memory_space<vmem>>
      %dma_start3A_38 = arith.constant 0 : i32
      %dma_start3A_39 = arith.constant 0 : i32
      %dma_start3A_40 = tpu.memref_slice %arg7[%dma_start3A_38, %dma_start3A_39] : memref<100000x128xf32, #tpu.memory_space<hbm>> -> memref<100000x128xf32, #tpu.memory_space<hbm>>
      tpu.enqueue_indirect_dma source(%dma_start3A_40 : memref<100000x128xf32, #tpu.memory_space<hbm>>) target(%arg17 : memref<1x128xf32, #tpu.memory_space<vmem>>) offsets(%dma_start3A_37 : memref<1xi32, #tpu.memory_space<vmem>>) semaphore(%arg22 : memref<!tpu.dma_semaphore, #tpu.memory_space<semaphore_mem>>)
      %dma_start3A_41 = arith.constant 0 : i32
      %dma_start3A_42 = tpu.memref_slice %arg18[%dma_start3A_41] : memref<16xf32, #tpu.memory_space<vmem>> -> memref<1xf32, #tpu.memory_space<vmem>>
      %dma_start3A_43 = arith.constant 0 : i32
      %dma_start3A_44 = tpu.memref_slice %arg12[%dma_start3A_43] : memref<16xi32, #tpu.memory_space<vmem>> -> memref<1xi32, #tpu.memory_space<vmem>>
      %dma_start3A_45 = arith.constant 0 : i32
      %dma_start3A_46 = tpu.memref_slice %arg9[%dma_start3A_45] : memref<100000xf32, #tpu.memory_space<hbm>> -> memref<100000xf32, #tpu.memory_space<hbm>>
      tpu.enqueue_indirect_dma source(%dma_start3A_46 : memref<100000xf32, #tpu.memory_space<hbm>>) target(%dma_start3A_42 : memref<1xf32, #tpu.memory_space<vmem>>) offsets(%dma_start3A_44 : memref<1xi32, #tpu.memory_space<vmem>>) semaphore(%arg22 : memref<!tpu.dma_semaphore, #tpu.memory_space<semaphore_mem>>)
      %dma_start3A_47 = arith.constant 0 : i32
      %dma_start3A_48 = tpu.memref_slice %arg19[%dma_start3A_47] : memref<16xf32, #tpu.memory_space<vmem>> -> memref<1xf32, #tpu.memory_space<vmem>>
      %dma_start3A_49 = arith.constant 0 : i32
      %dma_start3A_50 = tpu.memref_slice %arg13[%dma_start3A_49] : memref<16xi32, #tpu.memory_space<vmem>> -> memref<1xi32, #tpu.memory_space<vmem>>
      %dma_start3A_51 = arith.constant 0 : i32
      %dma_start3A_52 = tpu.memref_slice %arg8[%dma_start3A_51] : memref<200xf32, #tpu.memory_space<hbm>> -> memref<200xf32, #tpu.memory_space<hbm>>
      tpu.enqueue_indirect_dma source(%dma_start3A_52 : memref<200xf32, #tpu.memory_space<hbm>>) target(%dma_start3A_48 : memref<1xf32, #tpu.memory_space<vmem>>) offsets(%dma_start3A_50 : memref<1xi32, #tpu.memory_space<vmem>>) semaphore(%arg22 : memref<!tpu.dma_semaphore, #tpu.memory_space<semaphore_mem>>)
      %dma_start3A_53 = arith.constant 0 : i32
      %dma_start3A_54 = tpu.memref_slice %arg20[%dma_start3A_53] : memref<16xf32, #tpu.memory_space<vmem>> -> memref<1xf32, #tpu.memory_space<vmem>>
      %dma_start3A_55 = arith.constant 0 : i32
      %dma_start3A_56 = tpu.memref_slice %arg14[%dma_start3A_55] : memref<16xi32, #tpu.memory_space<vmem>> -> memref<1xi32, #tpu.memory_space<vmem>>
      %dma_start3A_57 = arith.constant 0 : i32
      %dma_start3A_58 = tpu.memref_slice %arg10[%dma_start3A_57] : memref<100000xf32, #tpu.memory_space<hbm>> -> memref<100000xf32, #tpu.memory_space<hbm>>
      tpu.enqueue_indirect_dma source(%dma_start3A_58 : memref<100000xf32, #tpu.memory_space<hbm>>) target(%dma_start3A_54 : memref<1xf32, #tpu.memory_space<vmem>>) offsets(%dma_start3A_56 : memref<1xi32, #tpu.memory_space<vmem>>) semaphore(%arg22 : memref<!tpu.dma_semaphore, #tpu.memory_space<semaphore_mem>>)
      %dma_wait3A_59 = arith.constant 0 : i32
      %dma_wait3A_60 = tpu.memref_slice %arg12[%dma_wait3A_59] : memref<16xi32, #tpu.memory_space<vmem>> -> memref<1xi32, #tpu.memory_space<vmem>>
      %dma_wait3A_61 = arith.constant 0 : i32
      %dma_wait3A_62 = arith.constant 0 : i32
      %dma_wait3A_63 = tpu.memref_slice %arg5[%dma_wait3A_61, %dma_wait3A_62] : memref<100000x128xf32, #tpu.memory_space<hbm>> -> memref<100000x128xf32, #tpu.memory_space<hbm>>
      tpu.wait_indirect_dma semaphore(%arg22 : memref<!tpu.dma_semaphore, #tpu.memory_space<semaphore_mem>>) src(%dma_wait3A_63 : memref<100000x128xf32, #tpu.memory_space<hbm>>) dst(%arg15 : memref<1x128xf32, #tpu.memory_space<vmem>>)
      %dma_wait3A_64 = arith.constant 0 : i32
      %dma_wait3A_65 = tpu.memref_slice %arg13[%dma_wait3A_64] : memref<16xi32, #tpu.memory_space<vmem>> -> memref<1xi32, #tpu.memory_space<vmem>>
      %dma_wait3A_66 = arith.constant 0 : i32
      %dma_wait3A_67 = arith.constant 0 : i32
      %dma_wait3A_68 = tpu.memref_slice %arg6[%dma_wait3A_66, %dma_wait3A_67] : memref<200x16384xf32, #tpu.memory_space<hbm>> -> memref<200x16384xf32, #tpu.memory_space<hbm>>
      tpu.wait_indirect_dma semaphore(%arg22 : memref<!tpu.dma_semaphore, #tpu.memory_space<semaphore_mem>>) src(%dma_wait3A_68 : memref<200x16384xf32, #tpu.memory_space<hbm>>) dst(%arg16 : memref<1x16384xf32, #tpu.memory_space<vmem>>)
      %dma_wait3A_69 = arith.constant 0 : i32
      %dma_wait3A_70 = tpu.memref_slice %arg14[%dma_wait3A_69] : memref<16xi32, #tpu.memory_space<vmem>> -> memref<1xi32, #tpu.memory_space<vmem>>
      %dma_wait3A_71 = arith.constant 0 : i32
      %dma_wait3A_72 = arith.constant 0 : i32
      %dma_wait3A_73 = tpu.memref_slice %arg7[%dma_wait3A_71, %dma_wait3A_72] : memref<100000x128xf32, #tpu.memory_space<hbm>> -> memref<100000x128xf32, #tpu.memory_space<hbm>>
      tpu.wait_indirect_dma semaphore(%arg22 : memref<!tpu.dma_semaphore, #tpu.memory_space<semaphore_mem>>) src(%dma_wait3A_73 : memref<100000x128xf32, #tpu.memory_space<hbm>>) dst(%arg17 : memref<1x128xf32, #tpu.memory_space<vmem>>)
      %dma_wait3A_74 = arith.constant 0 : i32
      %dma_wait3A_75 = tpu.memref_slice %arg18[%dma_wait3A_74] : memref<16xf32, #tpu.memory_space<vmem>> -> memref<1xf32, #tpu.memory_space<vmem>>
      %dma_wait3A_76 = arith.constant 0 : i32
      %dma_wait3A_77 = tpu.memref_slice %arg12[%dma_wait3A_76] : memref<16xi32, #tpu.memory_space<vmem>> -> memref<1xi32, #tpu.memory_space<vmem>>
      %dma_wait3A_78 = arith.constant 0 : i32
      %dma_wait3A_79 = tpu.memref_slice %arg9[%dma_wait3A_78] : memref<100000xf32, #tpu.memory_space<hbm>> -> memref<100000xf32, #tpu.memory_space<hbm>>
      tpu.wait_indirect_dma semaphore(%arg22 : memref<!tpu.dma_semaphore, #tpu.memory_space<semaphore_mem>>) src(%dma_wait3A_79 : memref<100000xf32, #tpu.memory_space<hbm>>) dst(%dma_wait3A_75 : memref<1xf32, #tpu.memory_space<vmem>>)
      %dma_wait3A_80 = arith.constant 0 : i32
      %dma_wait3A_81 = tpu.memref_slice %arg19[%dma_wait3A_80] : memref<16xf32, #tpu.memory_space<vmem>> -> memref<1xf32, #tpu.memory_space<vmem>>
      %dma_wait3A_82 = arith.constant 0 : i32
      %dma_wait3A_83 = tpu.memref_slice %arg13[%dma_wait3A_82] : memref<16xi32, #tpu.memory_space<vmem>> -> memref<1xi32, #tpu.memory_space<vmem>>
      %dma_wait3A_84 = arith.constant 0 : i32
      %dma_wait3A_85 = tpu.memref_slice %arg8[%dma_wait3A_84] : memref<200xf32, #tpu.memory_space<hbm>> -> memref<200xf32, #tpu.memory_space<hbm>>
      tpu.wait_indirect_dma semaphore(%arg22 : memref<!tpu.dma_semaphore, #tpu.memory_space<semaphore_mem>>) src(%dma_wait3A_85 : memref<200xf32, #tpu.memory_space<hbm>>) dst(%dma_wait3A_81 : memref<1xf32, #tpu.memory_space<vmem>>)
      %dma_wait3A_86 = arith.constant 0 : i32
      %dma_wait3A_87 = tpu.memref_slice %arg20[%dma_wait3A_86] : memref<16xf32, #tpu.memory_space<vmem>> -> memref<1xf32, #tpu.memory_space<vmem>>
      %dma_wait3A_88 = arith.constant 0 : i32
      %dma_wait3A_89 = tpu.memref_slice %arg14[%dma_wait3A_88] : memref<16xi32, #tpu.memory_space<vmem>> -> memref<1xi32, #tpu.memory_space<vmem>>
      %dma_wait3A_90 = arith.constant 0 : i32
      %dma_wait3A_91 = tpu.memref_slice %arg10[%dma_wait3A_90] : memref<100000xf32, #tpu.memory_space<hbm>> -> memref<100000xf32, #tpu.memory_space<hbm>>
      tpu.wait_indirect_dma semaphore(%arg22 : memref<!tpu.dma_semaphore, #tpu.memory_space<semaphore_mem>>) src(%dma_wait3A_91 : memref<100000xf32, #tpu.memory_space<hbm>>) dst(%dma_wait3A_87 : memref<1xf32, #tpu.memory_space<vmem>>)
      %broadcast_in_dim3A = arith.constant 0.000000e+00 : f32
      %broadcast_in_dim3A_92 = vector.broadcast %broadcast_in_dim3A : f32 to vector<16xf32>
      %broadcast_in_dim3A_93 = arith.constant 0.000000e+00 : f32
      %broadcast_in_dim3A_94 = vector.broadcast %broadcast_in_dim3A_93 : f32 to vector<16xf32>
      %broadcast_in_dim3A_95 = arith.constant 0.000000e+00 : f32
      %broadcast_in_dim3A_96 = vector.broadcast %broadcast_in_dim3A_95 : f32 to vector<16xf32>
      %broadcast_in_dim3A_97 = arith.constant 0.000000e+00 : f32
      %broadcast_in_dim3A_98 = vector.broadcast %broadcast_in_dim3A_97 : f32 to vector<16xf32>
      %broadcast_in_dim3A_99 = arith.constant 0.000000e+00 : f32
      %broadcast_in_dim3A_100 = vector.broadcast %broadcast_in_dim3A_99 : f32 to vector<16xf32>
      %broadcast_in_dim3A_101 = arith.constant 0.000000e+00 : f32
      %broadcast_in_dim3A_102 = vector.broadcast %broadcast_in_dim3A_101 : f32 to vector<16xf32>
      %broadcast_in_dim3A_103 = arith.constant 0.000000e+00 : f32
      %broadcast_in_dim3A_104 = vector.broadcast %broadcast_in_dim3A_103 : f32 to vector<16xf32>
      %broadcast_in_dim3A_105 = arith.constant 0.000000e+00 : f32
      %broadcast_in_dim3A_106 = vector.broadcast %broadcast_in_dim3A_105 : f32 to vector<16xf32>
      %scan3A = arith.constant 0 : i32
      %scan3A_107 = arith.constant 8 : i32
      %scan3A_108 = arith.addi %scan3A, %scan3A_107 : i32
      %scan3A_109 = arith.constant 1 : i32
      %scan3A_110:8 = scf.for %scan3A_184 = %scan3A to %scan3A_108 step %scan3A_109 iter_args(%scan3A_185 = %broadcast_in_dim3A_92, %scan3A_186 = %broadcast_in_dim3A_94, %scan3A_187 = %broadcast_in_dim3A_96, %scan3A_188 = %broadcast_in_dim3A_98, %scan3A_189 = %broadcast_in_dim3A_100, %scan3A_190 = %broadcast_in_dim3A_102, %scan3A_191 = %broadcast_in_dim3A_104, %scan3A_192 = %broadcast_in_dim3A_106) -> (vector<16xf32>, vector<16xf32>, vector<16xf32>, vector<16xf32>, vector<16xf32>, vector<16xf32>, vector<16xf32>, vector<16xf32>)  : i32 {
        %mul3A_193 = arith.constant 16 : i32
        %mul3A_194 = arith.muli %scan3A_184, %mul3A_193 : i32
        %get3A_195 = arith.constant 0 : i32
        %get3A_196 = arith.index_cast %get3A_195 : i32 to index
        %get3A_197 = arith.index_cast %mul3A_194 : i32 to index
        %get3A_198 = tpu.vector_load %arg15[%get3A_196, %get3A_197] {strides = array<i32>} : memref<1x128xf32, #tpu.memory_space<vmem>>, vector<16xf32>,
        %scan3A_199 = arith.constant 0 : i32
        %scan3A_200 = arith.constant 16 : i32
        %scan3A_201 = arith.addi %scan3A_199, %scan3A_200 : i32
        %scan3A_202 = arith.constant 1 : i32
        %scan3A_203:8 = scf.for %scan3A_205 = %scan3A_199 to %scan3A_201 step %scan3A_202 iter_args(%scan3A_206 = %scan3A_185, %scan3A_207 = %scan3A_186, %scan3A_208 = %scan3A_187, %scan3A_209 = %scan3A_188, %scan3A_210 = %scan3A_189, %scan3A_211 = %scan3A_190, %scan3A_212 = %scan3A_191, %scan3A_213 = %scan3A_192) -> (vector<16xf32>, vector<16xf32>, vector<16xf32>, vector<16xf32>, vector<16xf32>, vector<16xf32>, vector<16xf32>, vector<16xf32>)  : i32 {
          %broadcast_in_dim3A_214 = vector.broadcast %scan3A_205 : i32 to vector<16xi32>
          %lt3A = arith.constant 0 : i32
          %lt3A_215 = vector.broadcast %lt3A : i32 to vector<16xi32>
          %lt3A_216 = arith.cmpi slt, %broadcast_in_dim3A_214, %lt3A_215 : vector<16xi32>
          %add3A_217 = arith.constant 16 : i32
          %add3A_218 = vector.broadcast %add3A_217 : i32 to vector<16xi32>
          %add3A_219 = arith.addi %broadcast_in_dim3A_214, %add3A_218 : vector<16xi32>
          %select_n3A_220 = arith.select %lt3A_216, %add3A_219, %broadcast_in_dim3A_214 : vector<16xi1>, vector<16xi32>
          %broadcast_in_dim3A_221 = vector.shape_cast %select_n3A_220 : vector<16xi32> to vector<16x1xi32>
          %gather3A = vector.shape_cast %broadcast_in_dim3A_221 : vector<16x1xi32> to vector<16xi32>
          %gather3A_222 = tpu.dynamic_gather %get3A_198[%gather3A] in [0] : vector<16xf32>, vector<16xi32> -> vector<16xf32>
          %mul3A_223 = arith.constant 16 : i32
          %mul3A_224 = arith.muli %scan3A_184, %mul3A_223 : i32
          %add3A_225 = arith.addi %mul3A_224, %scan3A_205 : i32
          %mul3A_226 = arith.constant 128 : i32
          %mul3A_227 = arith.muli %add3A_225, %mul3A_226 : i32
          %add3A_228 = arith.constant 0 : i32
          %add3A_229 = arith.addi %mul3A_227, %add3A_228 : i32
          %get3A_230 = arith.constant 0 : i32
          %get3A_231 = arith.index_cast %get3A_230 : i32 to index
          %get3A_232 = arith.index_cast %add3A_229 : i32 to index
          %get3A_233 = tpu.vector_load %arg16[%get3A_231, %get3A_232] {strides = array<i32>} : memref<1x16384xf32, #tpu.memory_space<vmem>>, vector<16xf32>,
          %mul3A_234 = arith.mulf %gather3A_222, %get3A_233 : vector<16xf32>
          %add3A_235 = arith.addf %scan3A_206, %mul3A_234 : vector<16xf32>
          %add3A_236 = arith.constant 16 : i32
          %add3A_237 = arith.addi %mul3A_227, %add3A_236 : i32
          %get3A_238 = arith.constant 0 : i32
          %get3A_239 = arith.index_cast %get3A_238 : i32 to index
          %get3A_240 = arith.index_cast %add3A_237 : i32 to index
          %get3A_241 = tpu.vector_load %arg16[%get3A_239, %get3A_240] {strides = array<i32>} : memref<1x16384xf32, #tpu.memory_space<vmem>>, vector<16xf32>,
          %mul3A_242 = arith.mulf %gather3A_222, %get3A_241 : vector<16xf32>
          %add3A_243 = arith.addf %scan3A_207, %mul3A_242 : vector<16xf32>
          %add3A_244 = arith.constant 32 : i32
          %add3A_245 = arith.addi %mul3A_227, %add3A_244 : i32
          %get3A_246 = arith.constant 0 : i32
          %get3A_247 = arith.index_cast %get3A_246 : i32 to index
          %get3A_248 = arith.index_cast %add3A_245 : i32 to index
          %get3A_249 = tpu.vector_load %arg16[%get3A_247, %get3A_248] {strides = array<i32>} : memref<1x16384xf32, #tpu.memory_space<vmem>>, vector<16xf32>,
          %mul3A_250 = arith.mulf %gather3A_222, %get3A_249 : vector<16xf32>
          %add3A_251 = arith.addf %scan3A_208, %mul3A_250 : vector<16xf32>
          %add3A_252 = arith.constant 48 : i32
          %add3A_253 = arith.addi %mul3A_227, %add3A_252 : i32
          %get3A_254 = arith.constant 0 : i32
          %get3A_255 = arith.index_cast %get3A_254 : i32 to index
          %get3A_256 = arith.index_cast %add3A_253 : i32 to index
          %get3A_257 = tpu.vector_load %arg16[%get3A_255, %get3A_256] {strides = array<i32>} : memref<1x16384xf32, #tpu.memory_space<vmem>>, vector<16xf32>,
          %mul3A_258 = arith.mulf %gather3A_222, %get3A_257 : vector<16xf32>
          %add3A_259 = arith.addf %scan3A_209, %mul3A_258 : vector<16xf32>
          %add3A_260 = arith.constant 64 : i32
          %add3A_261 = arith.addi %mul3A_227, %add3A_260 : i32
          %get3A_262 = arith.constant 0 : i32
          %get3A_263 = arith.index_cast %get3A_262 : i32 to index
          %get3A_264 = arith.index_cast %add3A_261 : i32 to index
          %get3A_265 = tpu.vector_load %arg16[%get3A_263, %get3A_264] {strides = array<i32>} : memref<1x16384xf32, #tpu.memory_space<vmem>>, vector<16xf32>,
          %mul3A_266 = arith.mulf %gather3A_222, %get3A_265 : vector<16xf32>
          %add3A_267 = arith.addf %scan3A_210, %mul3A_266 : vector<16xf32>
          %add3A_268 = arith.constant 80 : i32
          %add3A_269 = arith.addi %mul3A_227, %add3A_268 : i32
          %get3A_270 = arith.constant 0 : i32
          %get3A_271 = arith.index_cast %get3A_270 : i32 to index
          %get3A_272 = arith.index_cast %add3A_269 : i32 to index
          %get3A_273 = tpu.vector_load %arg16[%get3A_271, %get3A_272] {strides = array<i32>} : memref<1x16384xf32, #tpu.memory_space<vmem>>, vector<16xf32>,
          %mul3A_274 = arith.mulf %gather3A_222, %get3A_273 : vector<16xf32>
          %add3A_275 = arith.addf %scan3A_211, %mul3A_274 : vector<16xf32>
          %add3A_276 = arith.constant 96 : i32
          %add3A_277 = arith.addi %mul3A_227, %add3A_276 : i32
          %get3A_278 = arith.constant 0 : i32
          %get3A_279 = arith.index_cast %get3A_278 : i32 to index
          %get3A_280 = arith.index_cast %add3A_277 : i32 to index
          %get3A_281 = tpu.vector_load %arg16[%get3A_279, %get3A_280] {strides = array<i32>} : memref<1x16384xf32, #tpu.memory_space<vmem>>, vector<16xf32>,
          %mul3A_282 = arith.mulf %gather3A_222, %get3A_281 : vector<16xf32>
          %add3A_283 = arith.addf %scan3A_212, %mul3A_282 : vector<16xf32>
          %add3A_284 = arith.constant 112 : i32
          %add3A_285 = arith.addi %mul3A_227, %add3A_284 : i32
          %get3A_286 = arith.constant 0 : i32
          %get3A_287 = arith.index_cast %get3A_286 : i32 to index
          %get3A_288 = arith.index_cast %add3A_285 : i32 to index
          %get3A_289 = tpu.vector_load %arg16[%get3A_287, %get3A_288] {strides = array<i32>} : memref<1x16384xf32, #tpu.memory_space<vmem>>, vector<16xf32>,
          %mul3A_290 = arith.mulf %gather3A_222, %get3A_289 : vector<16xf32>
          %add3A_291 = arith.addf %scan3A_213, %mul3A_290 : vector<16xf32>
          scf.yield %add3A_235, %add3A_243, %add3A_251, %add3A_259, %add3A_267, %add3A_275, %add3A_283, %add3A_291 : vector<16xf32>, vector<16xf32>, vector<16xf32>, vector<16xf32>, vector<16xf32>, vector<16xf32>, vector<16xf32>, vector<16xf32>
        }
        %scan3A_204 = arith.constant 16 : i32
        scf.yield %scan3A_203#0, %scan3A_203#1, %scan3A_203#2, %scan3A_203#3, %scan3A_203#4, %scan3A_203#5, %scan3A_203#6, %scan3A_203#7 : vector<16xf32>, vector<16xf32>, vector<16xf32>, vector<16xf32>, vector<16xf32>, vector<16xf32>, vector<16xf32>, vector<16xf32>
      }
      %scan3A_111 = arith.constant 8 : i32
      %broadcast_in_dim3A_112 = arith.constant 0.000000e+00 : f32
      %broadcast_in_dim3A_113 = vector.broadcast %broadcast_in_dim3A_112 : f32 to vector<16xf32>
      %get3A = arith.constant 0 : i32
      %get3A_114 = arith.index_cast %get3A : i32 to index
      %get3A_115 = arith.constant 0 : index
      %get3A_116 = tpu.vector_load %arg17[%get3A_114, %get3A_115] {strides = array<i32>} : memref<1x128xf32, #tpu.memory_space<vmem>>, vector<16xf32>,
      %mul3A = arith.mulf %scan3A_110#0, %get3A_116 : vector<16xf32>
      %add3A = arith.addf %broadcast_in_dim3A_113, %mul3A : vector<16xf32>
      %get3A_117 = arith.constant 0 : i32
      %get3A_118 = arith.index_cast %get3A_117 : i32 to index
      %get3A_119 = arith.constant 16 : index
      %get3A_120 = tpu.vector_load %arg17[%get3A_118, %get3A_119] {strides = array<i32>} : memref<1x128xf32, #tpu.memory_space<vmem>>, vector<16xf32>,
      %mul3A_121 = arith.mulf %scan3A_110#1, %get3A_120 : vector<16xf32>
      %add3A_122 = arith.addf %add3A, %mul3A_121 : vector<16xf32>
      %get3A_123 = arith.constant 0 : i32
      %get3A_124 = arith.index_cast %get3A_123 : i32 to index
      %get3A_125 = arith.constant 32 : index
      %get3A_126 = tpu.vector_load %arg17[%get3A_124, %get3A_125] {strides = array<i32>} : memref<1x128xf32, #tpu.memory_space<vmem>>, vector<16xf32>,
      %mul3A_127 = arith.mulf %scan3A_110#2, %get3A_126 : vector<16xf32>
      %add3A_128 = arith.addf %add3A_122, %mul3A_127 : vector<16xf32>
      %get3A_129 = arith.constant 0 : i32
      %get3A_130 = arith.index_cast %get3A_129 : i32 to index
      %get3A_131 = arith.constant 48 : index
      %get3A_132 = tpu.vector_load %arg17[%get3A_130, %get3A_131] {strides = array<i32>} : memref<1x128xf32, #tpu.memory_space<vmem>>, vector<16xf32>,
      %mul3A_133 = arith.mulf %scan3A_110#3, %get3A_132 : vector<16xf32>
      %add3A_134 = arith.addf %add3A_128, %mul3A_133 : vector<16xf32>
      %get3A_135 = arith.constant 0 : i32
      %get3A_136 = arith.index_cast %get3A_135 : i32 to index
      %get3A_137 = arith.constant 64 : index
      %get3A_138 = tpu.vector_load %arg17[%get3A_136, %get3A_137] {strides = array<i32>} : memref<1x128xf32, #tpu.memory_space<vmem>>, vector<16xf32>,
      %mul3A_139 = arith.mulf %scan3A_110#4, %get3A_138 : vector<16xf32>
      %add3A_140 = arith.addf %add3A_134, %mul3A_139 : vector<16xf32>
      %get3A_141 = arith.constant 0 : i32
      %get3A_142 = arith.index_cast %get3A_141 : i32 to index
      %get3A_143 = arith.constant 80 : index
      %get3A_144 = tpu.vector_load %arg17[%get3A_142, %get3A_143] {strides = array<i32>} : memref<1x128xf32, #tpu.memory_space<vmem>>, vector<16xf32>,
      %mul3A_145 = arith.mulf %scan3A_110#5, %get3A_144 : vector<16xf32>
      %add3A_146 = arith.addf %add3A_140, %mul3A_145 : vector<16xf32>
      %get3A_147 = arith.constant 0 : i32
      %get3A_148 = arith.index_cast %get3A_147 : i32 to index
      %get3A_149 = arith.constant 96 : index
      %get3A_150 = tpu.vector_load %arg17[%get3A_148, %get3A_149] {strides = array<i32>} : memref<1x128xf32, #tpu.memory_space<vmem>>, vector<16xf32>,
      %mul3A_151 = arith.mulf %scan3A_110#6, %get3A_150 : vector<16xf32>
      %add3A_152 = arith.addf %add3A_146, %mul3A_151 : vector<16xf32>
      %get3A_153 = arith.constant 0 : i32
      %get3A_154 = arith.index_cast %get3A_153 : i32 to index
      %get3A_155 = arith.constant 112 : index
      %get3A_156 = tpu.vector_load %arg17[%get3A_154, %get3A_155] {strides = array<i32>} : memref<1x128xf32, #tpu.memory_space<vmem>>, vector<16xf32>,
      %mul3A_157 = arith.mulf %scan3A_110#7, %get3A_156 : vector<16xf32>
      %add3A_158 = arith.addf %add3A_152, %mul3A_157 : vector<16xf32>
      %iota3A = tpu.iota {dimensions = array<i32: 0>} : vector<16xi32>
      %broadcast_in_dim3A_159 = arith.constant 0.000000e+00 : f32
      %broadcast_in_dim3A_160 = vector.broadcast %broadcast_in_dim3A_159 : f32 to vector<16xf32>
      %eq3A_161 = arith.constant 0 : i32
      %eq3A_162 = vector.broadcast %eq3A_161 : i32 to vector<16xi32>
      %eq3A_163 = arith.cmpi eq, %iota3A, %eq3A_162 : vector<16xi32>
      %get3A_164 = arith.constant 0 : index
      %get3A_165 = tpu.vector_load %arg18[%get3A_164] {strides = array<i32>} : memref<16xf32, #tpu.memory_space<vmem>>, vector<16xf32>,
      %get3A_166 = arith.constant 0 : index
      %get3A_167 = tpu.vector_load %arg19[%get3A_166] {strides = array<i32>} : memref<16xf32, #tpu.memory_space<vmem>>, vector<16xf32>,
      %add3A_168 = arith.addf %get3A_165, %get3A_167 : vector<16xf32>
      %get3A_169 = arith.constant 0 : index
      %get3A_170 = tpu.vector_load %arg20[%get3A_169] {strides = array<i32>} : memref<16xf32, #tpu.memory_space<vmem>>, vector<16xf32>,
      %add3A_171 = arith.addf %add3A_168, %get3A_170 : vector<16xf32>
      %select_n3A = arith.select %eq3A_163, %add3A_171, %broadcast_in_dim3A_160 : vector<16xi1>, vector<16xf32>
      %add3A_172 = arith.addf %add3A_158, %select_n3A : vector<16xf32>
      %broadcast_in_dim3A_173 = arith.constant true
      %broadcast_in_dim3A_174 = vector.broadcast %broadcast_in_dim3A_173 : i1 to vector<16xi1>
      %masked_cumsum3A = tpu.scan <sum>, %add3A_172 masked %broadcast_in_dim3A_174 : vector<16xf32>, vector<16xi1> -> vector<16xf32>
      %slice3A = vector.extract_strided_slice %masked_cumsum3A {offsets = [15], sizes = [1], strides = [1]} : vector<16xf32> to vector<1xf32>
      %squeeze3A = vector.extract %slice3A[0] : f32 from vector<1xf32>
      %broadcast_in_dim3A_175 = vector.broadcast %squeeze3A : f32 to vector<16xf32>
      %neg3A = arith.constant 0.000000e+00 : f32
      %neg3A_176 = vector.broadcast %neg3A : f32 to vector<16xf32>
      %neg3A_177 = arith.subf %neg3A_176, %broadcast_in_dim3A_175 : vector<16xf32>
      %exp3A = math.exp %neg3A_177 : vector<16xf32>
      %add3A_178 = arith.constant 1.000000e+00 : f32
      %add3A_179 = vector.broadcast %add3A_178 : f32 to vector<16xf32>
      %add3A_180 = arith.addf %add3A_179, %exp3A : vector<16xf32>
      %div3A = arith.constant 1.000000e+00 : f32
      %div3A_181 = vector.broadcast %div3A : f32 to vector<16xf32>
      %div3A_182 = arith.divf %div3A_181, %add3A_180 : vector<16xf32>
      %swap3A = arith.constant 0 : index
      %swap3A_183 = tpu.vector_load %arg21[%swap3A] {strides = array<i32>} : memref<16xf32, #tpu.memory_space<vmem>>, vector<16xf32>,
      tpu.vector_store %arg21[%swap3A], %div3A_182 {strides = array<i32>} : memref<16xf32, #tpu.memory_space<vmem>>, vector<16xf32>,
      "tpu.region"() ({
        %run_scoped3A = tpu.sem_alloc : memref<!tpu.dma_semaphore, #tpu.memory_space<semaphore_mem>>
        %dma_start3A_184 = arith.constant 0 : i32
        %dma_start3A_185 = tpu.memref_slice %arg21[%dma_start3A_184] : memref<16xf32, #tpu.memory_space<vmem>> -> memref<1xf32, #tpu.memory_space<vmem>>
        %dma_start3A_186 = arith.constant 0 : i32
        %dma_start3A_187 = tpu.memref_slice %arg21[%dma_start3A_186] : memref<16xf32, #tpu.memory_space<vmem>> -> memref<1xf32, #tpu.memory_space<vmem>>
        tpu.enqueue_dma source(%dma_start3A_187 : memref<1xf32, #tpu.memory_space<vmem>>) target(%arg11 : memref<1xf32, #tpu.memory_space<hbm>>) target_semaphore(%run_scoped3A : memref<!tpu.dma_semaphore, #tpu.memory_space<semaphore_mem>>)
        %dma_wait3A_188 = arith.constant 0 : i32
        %dma_wait3A_189 = tpu.memref_slice %arg21[%dma_wait3A_188] : memref<16xf32, #tpu.memory_space<vmem>> -> memref<1xf32, #tpu.memory_space<vmem>>
        %dma_wait3A_190 = arith.constant 0 : i32
        %dma_wait3A_191 = tpu.memref_slice %arg21[%dma_wait3A_190] : memref<16xf32, #tpu.memory_space<vmem>> -> memref<1xf32, #tpu.memory_space<vmem>>
        tpu.wait_dma2 semaphore(%run_scoped3A : memref<!tpu.dma_semaphore, #tpu.memory_space<semaphore_mem>>) src(%dma_wait3A_191 : memref<1xf32, #tpu.memory_space<vmem>>) dst(%arg11 : memref<1xf32, #tpu.memory_space<hbm>>)
        tpu.yield
      }) : () -> ()
    } else {
    }
    return
  }
}

</mosaic_0001>

<sc_bundles>
// kernel: kernel.3.cloned.1.call-start
scs
__scs_entry_jumppad:
0x0: {  	(pc) =	sbr.rel $0x88, $3  }
0x1: {  	(tag) =	ssettag $0x0;
	lr =	simm.s32 $0x1  }
0x2: {  	[smem:$0x3F98] =	sst lr;
	_ =	strace $0xD0000000  }
0x3: {  	_ = 	snop  }
0x4: {  	_ = 	snop  }
0x5: {  	_ = 	snop  }
0x6: {  	_ = 	snop  }
0x7: {  	_ = 	snop  }
__scs_overlays_trampoline_lowered:
0x8: {  	[smem:$0x3FA7] =	sst s0  }
0x9: {  	[smem:$0x3FA8] =	sst s1  }
0xa: {  	[smem:$0x3FA9] =	sst s2  }
0xb: {  	[smem:$0x3FAA] =	sst s3  }
0xc: {  	[smem:$0x3FAB] =	sst s4  }
0xd: {  	[smem:$0x3FAC] =	sst s5  }
0xe: {  	[smem:$0x3FAD] =	sst s6  }
0xf: {  	[smem:$0x3FAE] =	sst s7  }
0x10: {  	[smem:$0x3FAF] =	sst s8  }
0x11: {  	[smem:$0x3FB0] =	sst s9;
	s0 =	simm.s32 @!p0 $0x0  }
0x12: {  	s1 =	sld [smem:$0x3F96];
	s0 =	simm.s32 @p0 $0x1  }
0x13: {  	[smem:$0x3FB1] =	sst s0;
	s0 =	simm.s32 @!p1 $0x0  }
0x14: {  	s2 =	sld [smem:$0x3F95];
	s0 =	simm.s32 @p1 $0x1  }
0x15: {  	[smem:$0x3FB2] =	sst s0;
	s0 =	simm.s32 @!p2 $0x0  }
0x16: {  	s3 =	sld [smem:$0x3FDB];
	s0 =	simm.s32 @p2 $0x1  }
0x17: {  	s4 =	simm.s32 $0x1BF5;
	[smem:$0x3FB4] =	sst s0  }
0x18: {  	s0 =	sld [smem:$0x3F97];
	_ =	swait.ge [sflag:s4], $0x0  }
0x19: {  	s7 =	sld [smem:$0x3F98]  }
0x1a: {  	s8 =	sadd.s32 $0xFFFFE003, lr  }
0x1b: {  	s9 =	sadd.s32 $0xFFFFFEF7, lr;
	s5 =	simm.s32 $0xFFFFFFFF;
	p2 =	slt.u32 s8, $0xFFFFF086  }
0x1c: {  	p1 =	slt.u32 s9, $0xF7A;
	s5 =	simm.s32 @!p2 $0x0  }
0x1d: {  	s5 =	simm.s32 @p1 $0x1;
	p0 =	seq.s32 s7, s2  }
0x1e: {  	s7 =	smul.u32 @!p0 $0xF7A, s2;
	p2 =	seq.s32 @!p0 s5, $0x0  }
0x1f: {  	s9 =	smul.u32 $0xF7A, s1;
	s8 =	simm.s32 @!p0 $0x1BF5;
	p2 =	por !p2, p0  }
0x20: {  	[sflag:s8] =	ssyncset.s32 @!p0 $0xFFFFF086;
	s6 =	sadd.s32 @!p0 s3, s7;
	s7 =	simm.s32 @!p0 $0x108  }
0x21: {  	s3 =	sadd.s32 s3, s9;
	s6 =	sadd.s32 @!p0 $0x88, s6;
	s7 =	simm.s32 @p2 $0x1082  }
0x22: {  	[simem:s7], [sflag:s8] =	dma.local @!p0 [hbm:s6], $0xF7A  }
0x23: {  	s9 =	sor.u32 $0xD0000000, s2;
	s6 =	simm.s32 $0x108;
	_ =	swait.ge @!p0 [sflag:s8], $0x0  }
0x24: {  	s3 =	sadd.s32 $0x88, s3;
	s6 =	simm.s32 @!p1 $0x1082;
	[sflag:s4] =	ssyncset.s32 $0xFFFFF086  }
0x25: {  	[simem:s6], [sflag:s4] =	dma.local [hbm:s3], $0xF7A  }
0x26: {  	[smem:$0x3F98] =	sst s1;
	(tag) =	ssettag s2;
	_ =	strace s9  }
0x27: {  	s1 =	sld [smem:$0x3FA8]  }
0x28: {  	s2 =	sld [smem:$0x3FA9]  }
0x29: {  	s4 =	sld [smem:$0x3FAB]  }
0x2a: {  	p0 =	seq.s32 s5, $0x0;
	s5 =	sld [smem:$0x3FAC]  }
0x2b: {  	s6 =	sld [smem:$0x3FAD]  }
0x2c: {  	s7 =	sld [smem:$0x3FAE]  }
0x2d: {  	s3 =	simm.s32 $0x108;
	s8 =	sld [smem:$0x3FAF]  }
0x2e: {  	s3 =	simm.s32 @!p0 $0x1082;
	s9 =	sld [smem:$0x3FB0]  }
0x2f: {  	lr =	sadd.s32 s0, s3;
	s0 =	sld [smem:$0x3FA7]  }
0x30: {  	s3 =	sld [smem:$0x3FAA]  }
0x31: {  	[smem:$0x3FB3] =	sst s10  }
0x32: {  	s10 =	sld [smem:$0x3FB1];
	_ =	sdelay $0x3  }
0x33: {  	p0 =	seq.s32 s10, $0x1;
	s10 =	sld [smem:$0x3FB3];
	_ =	sdelay $0x3  }
0x34: {  	[smem:$0x3FB3] =	sst s10  }
0x35: {  	s10 =	sld [smem:$0x3FB2];
	_ =	sdelay $0x3  }
0x36: {  	p1 =	seq.s32 s10, $0x1;
	s10 =	sld [smem:$0x3FB3];
	_ =	sdelay $0x3  }
0x37: {  	[smem:$0x3FB3] =	sst s10  }
0x38: {  	s10 =	sld [smem:$0x3FB4]  }
0x39: {  	_ = 	snop;
	(pc) =	sbr.ind lr, $3  }
0x3a: {  	_ = 	snop  }
0x3b: {  	_ = 	snop  }
0x3c: {  	p2 =	seq.s32 s10, $0x1;
	s10 =	sld [smem:$0x3FB3]  }
0x3d: {  	_ =	shalt  }
0x3e: {  	_ =	shalt  }
0x3f: {  	_ =	shalt  }
0x40: {  	_ =	shalt  }
0x41: {  	_ =	shalt  }
0x42: {  	_ =	shalt  }
0x43: {  	_ =	shalt  }
0x44: {  	_ =	shalt  }
0x45: {  	_ =	shalt  }
0x46: {  	_ =	shalt  }
0x47: {  	_ =	shalt  }
0x48: {  	_ =	shalt  }
0x49: {  	_ =	shalt  }
0x4a: {  	_ =	shalt  }
0x4b: {  	_ =	shalt  }
0x4c: {  	_ =	shalt  }
0x4d: {  	_ =	shalt  }
0x4e: {  	_ =	shalt  }
0x4f: {  	_ =	shalt  }
0x50: {  	_ =	shalt  }
0x51: {  	_ =	shalt  }
0x52: {  	_ =	shalt  }
0x53: {  	_ =	shalt  }
0x54: {  	_ =	shalt  }
0x55: {  	_ =	shalt  }
0x56: {  	_ =	shalt  }
0x57: {  	_ =	shalt  }
0x58: {  	_ =	shalt  }
0x59: {  	_ =	shalt  }
0x5a: {  	_ =	shalt  }
0x5b: {  	_ =	shalt  }
0x5c: {  	_ =	shalt  }
0x5d: {  	_ =	shalt  }
0x5e: {  	_ =	shalt  }
0x5f: {  	_ =	shalt  }
0x60: {  	_ =	shalt  }
0x61: {  	_ =	shalt  }
0x62: {  	_ =	shalt  }
0x63: {  	_ =	shalt  }
0x64: {  	_ =	shalt  }
0x65: {  	_ =	shalt  }
0x66: {  	_ =	shalt  }
0x67: {  	_ =	shalt  }
0x68: {  	_ =	shalt  }
0x69: {  	_ =	shalt  }
0x6a: {  	_ =	shalt  }
0x6b: {  	_ =	shalt  }
0x6c: {  	_ =	shalt  }
0x6d: {  	_ =	shalt  }
0x6e: {  	_ =	shalt  }
0x6f: {  	_ =	shalt  }
0x70: {  	_ =	shalt  }
0x71: {  	_ =	shalt  }
0x72: {  	_ =	shalt  }
0x73: {  	_ =	shalt  }
0x74: {  	_ =	shalt  }
0x75: {  	_ =	shalt  }
0x76: {  	_ =	shalt  }
0x77: {  	_ =	shalt  }
0x78: {  	_ =	shalt  }
0x79: {  	_ =	shalt  }
0x7a: {  	_ =	shalt  }
0x7b: {  	_ =	shalt  }
0x7c: {  	_ =	shalt  }
0x7d: {  	_ =	shalt  }
0x7e: {  	_ =	shalt  }
0x7f: {  	_ =	shalt  }
0x80: {  	_ =	shalt  }
0x81: {  	_ =	shalt  }
0x82: {  	_ =	shalt  }
0x83: {  	_ =	shalt  }
0x84: {  	_ =	shalt  }
0x85: {  	_ =	shalt  }
0x86: {  	_ =	shalt  }
0x87: {  	_ =	shalt  }
.Lfunc_end0:
.L_simem_size_0:
called_computation_lowered:
.L_overlay_start_0:
0x88: {  	s0 =	sld [smem:$0x3FD9]  }
0x89: {  	s1 =	sld [smem:$0x3FFE];
	_ =	sdelay $0x3  }
0x8a: {  	s0 =	sadd.s32 s1, s0  }
0x8b: {  	[smem:$0x3FBF] =	sst s0  }
0x8c: {  	_ = 	snop  }
0x8d: {  	s0 =	sld [smem:$0x3FC9]  }
0x8e: {  	s16 =	sld [smem:$0x3FC8]  }
0x8f: {  	s2 =	sld [smem:$0x3FC7]  }
0x90: {  	s3 =	sld [smem:$0x3FC6]  }
0x91: {  	s4 =	sld [smem:$0x3FC5]  }
0x92: {  	s5 =	sld [smem:$0x3FC4]  }
0x93: {  	s6 =	sld [smem:$0x3FC3]  }
0x94: {  	s7 =	sld [smem:$0x3FD0];
	(tm) =	ssettm $0x1  }
0x95: {  	s8 =	sld [smem:$0x3FFB];
	_ =	sdelay $0x3  }
0x96: {  	_ =	strace s8  }
0x97: {  	s8 =	sld [smem:$0x3FFC];
	_ =	sdelay $0x3  }
0x98: {  	_ =	strace s8  }
0x99: {  	s8 =	sld [smem:$0x3FFD];
	_ =	sdelay $0x3  }
0x9a: {  	_ =	strace s8  }
0x9b: {  	_ =	strace $0x8FFFFFFF  }
0x9c: {  	s17 =	sld [smem:$0x3FDB];
	_ =	sdelay $0x1  }
0x9d: {  	s9 =	simm.s32 $_scs_section_size  }
0x9e: {  	s10 =	simm.s32 $_size__tile_overlayer_lowered;
	s11 =	simm.s32 $_tile_overlayer_lowered  }
0x9f: {  	s20 =	simm.s32 $0x1BFF;
	s19 =	sshll.u32 s11, $0x1;
	s8 =	sadd.s32 s9, s17  }
0xa0: {  	s12 =	simm.s32 $0x0;
	s18 =	sshll.u32 s10, $0x1;
	s10 =	sadd.s32 s19, s8  }
0xa1: {  	[timem:s12], [sflag:s20] =	dma.local [hbm:s10], s18  }
0xa2: {  	_ =	swait.ge [sflag:s20], s18  }
0xa3: {  	s9 =	ssub.s32 $0x0, s18;
	[sflag:s20] =	ssyncset.done $0x0  }
0xa4: {  	[sflag:s20] =	ssyncadd.s32 s9;
	_ =	sdelay $0x1  }
0xa5: {  	s21 =	simm.s32 $0x1B8B  }
0xa6: {  	_ =	swait.ge [sflag:s21], $0x1  }
0xa7: {  	[sflag:s21] =	ssyncset.done $0x0  }
0xa8: {  	s23 =	simm.s32 $0x1B8E;
	s22 =	sld [smem:$0x3FFE];
	[sflag:s21] =	ssyncadd.s32 $0xFFFFFFFF  }
0xa9: {  	s24 =	simm.s32 $execute0_lowered;
	[smem:$0x3FD2] =	sst s23  }
0xaa: {  	s10 =	sshll.u32 s24, $0x1;
	_ =	strace $0x80000046;
	[dreg:$0x1] =	wrdreg $0xFFFFFFFF  }
0xab: {  	s25 =	simm.s32 $_size_execute0_lowered;
	s8 =	sadd.s32 s8, s10;
	[dreg:$0x0] =	wrdreg $0x0  }
0xac: {  	s10 =	sshll.u32 s25, $0x1;
	[dreg:$0x2] =	wrdreg s8  }
0xad: {  	[dreg:$0x3] =	wrdreg s10  }
0xae: {  	[dreg:$0x4] =	wrdreg $0xC0  }
0xaf: {  	_ =	task [dreg:s12], $0x5FFFF  }
0xb0: {  	[dreg:$0x1] =	wrdreg $0xFFFFFFFF  }
0xb1: {  	[dreg:$0x0] =	wrdreg $0x60  }
0xb2: {  	[dreg:$0x2] =	wrdreg s0  }
0xb3: {  	[dreg:$0x3] =	wrdreg s16  }
0xb4: {  	[dreg:$0x4] =	wrdreg s2  }
0xb5: {  	[dreg:$0x5] =	wrdreg s3  }
0xb6: {  	[dreg:$0x6] =	wrdreg s4  }
0xb7: {  	[dreg:$0x7] =	wrdreg s5  }
0xb8: {  	[dreg:$0x8] =	wrdreg s6  }
0xb9: {  	[dreg:$0x9] =	wrdreg s22  }
0xba: {  	[dreg:$0xa] =	wrdreg s7  }
0xbb: {  	[dreg:$0xb] =	wrdreg $0x9  }
0xbc: {  	_ =	task.clear_ibuf [dreg:s12], $0xCFFFF;
	_ =	strace $0x90000046  }
0xbd: {  	s26 =	simm.s32 $0x9;
	_ =	strace $0x80000048  }
0xbe: {  	_ =	swait.ge [sflag:s26], $0x1  }
0xbf: {  	[sflag:s26] =	ssyncadd.s32 $0xFFFFFFFF  }
0xc0: {  	_ =	strace $0x90000048  }
0xc1: {  	_ =	sfence  }
0xc2: {  	s28 =	sld [smem:$0x0];
	_ =	sdelay $0x1  }
0xc3: {  	s29 =	srdreg.scid  }
0xc4: {  	s30 =	sshll.u32 s29, $0xD;
	s31 =	sshrl.u32 s29, $0x2  }
0xc5: {  	s1 =	sand.u32 $0x1, s29;
	s2 =	sand.u32 $0x4000, s30;
	s0 =	sadd.s32 s31, s28  }
0xc6: {  	s1 =	sor.u32 s2, s1;
	s0 =	sshll.u32 s0, $0x11  }
0xc7: {  	s0 =	sor.u32 s0, s1  }
0xc8: {  	s0 =	sadd.s32 $0x8F2B, s0  }
0xc9: {  	[sflag:s0] =	ssyncadd.remote.s32 $0x1  }
0xca: {  	_ =	sfence.sel $0xFFFF  }
0xcb: {  	[dreg:$0x0] =	wrdreg $0xFFFFFFFF;
	(pc) =	sbr.abs _section_cstart, $3  }
0xcc: {  	[dreg:$0x1] =	wrdreg $0xFFFFFFFF  }
0xcd: {  	_ =	task.clear_ibuf [dreg:s12], $0x2FFFF;
	_ =	strace $0x9FFFFFFF  }
0xce: {  	(tm) =	ssettm $0x7FFFFFFF  }
0xcf: {  	_ =	shalt  }
tec
execute0_lowered:
.L_overlay_start_1:
0x0: {  	(tag) =	ssettag $0x1  }
0x1: {  	s10 =	rddreg [dreg:$0x0]  }
0x2: {  	s9 =	rddreg [dreg:$0x1]  }
0x3: {  	s3 =	rddreg [dreg:$0x2]  }
0x4: {  	s8 =	rddreg [dreg:$0x3]  }
0x5: {  	s7 =	rddreg [dreg:$0x4]  }
0x6: {  	s6 =	rddreg [dreg:$0x5]  }
0x7: {  	s4 =	rddreg [dreg:$0x6]  }
0x8: {  	s5 =	rddreg [dreg:$0x7]  }
0x9: {  	s1 =	rddreg [dreg:$0x8];
	s2 =	stileid.u32  }
0xa: {  	s0 =	rddreg [dreg:$0x9];
	_ =	strace $0x80000047;
	p0 =	sne.s32 s2, $0x0  }
0xb: {  	_ =	sfence.sel @p0 $0x180000  }
0xc: {  	[bflag:$0x0] =	sbarrier.arrive @p0 $0xFFFF  }
0xd: {  	_ =	strace @p0 $0x90000047  }
0xe: {  	[bflag:$0x2] =	sbarrier.arrive @p0 $0xFFFF  }
0xf: {  	_ =	shalt @p0  }
.LBB2_1:
0x10: {  	s2 =	simm.s32 $0x0  }
0x11: {  	[tilespmem:s2], [sflag:$0x1] =	stream.linear.gather [hbm4b:s10+s2], $0x1, $0x38;
	[tilespmem:$0x4480] =	vst v63  }
0x12: {  	s31 =	simm.s32 $0x80  }
0x13: {  	[tilespmem:s31], [sflag:$0x1] =	stream.linear.gather [hbm4b:s9+s2], $0x1, $0x38;
	[tilespmem:$0x4480] =	vst v63  }
0x14: {  	s9 =	simm.s32 $0x100  }
0x15: {  	[tilespmem:s9], [sflag:$0x1] =	stream.linear.gather [hbm4b:s3+s2], $0x1, $0x38;
	[tilespmem:$0x4480] =	vst v63  }
0x16: {  	s3 =	simm.s32 $0x1  }
0x17: {  	_ =	swait.ge [sflag:s3], $0x1  }
0x18: {  	[sflag:s3] =	ssyncset.done $0x0  }
0x19: {  	[sflag:s3] =	ssyncadd.s32 $0xFFFFFFFF  }
0x1a: {  	_ =	swait.ge [sflag:s3], $0x1  }
0x1b: {  	[sflag:s3] =	ssyncset.done $0x0  }
0x1c: {  	[sflag:s3] =	ssyncadd.s32 $0xFFFFFFFF  }
0x1d: {  	_ =	swait.ge [sflag:s3], $0x1  }
0x1e: {  	[sflag:s3] =	ssyncset.done $0x0  }
0x1f: {  	s11 =	simm.s32 $0x180;
	[sflag:s3] =	ssyncadd.s32 $0xFFFFFFFF  }
0x20: {  	[tilespmem:s11], [sflag:$0x1] =	stream.indirect.gather [hbm4b:s8+s3], $0x80, s2, s3, $0xb8;
	[tilespmem:$0x4480] =	vst v63  }
0x21: {  	v0 =	vld.msk [tilespmem:$0x80], $0x1;
	_ =	sdelay $0x4  }
0x22: {  	v1 =	vshll.u32 v0, $0x7  }
0x23: {  	v0 =	vand.u32 $0x7, v0;
	v1 =	vand.u32 $0xFFFFFC00, v1  }
0x24: {  	v2 =	vlaneseq.u32;
	v0 =	vor.u32 v0, v1;
	v1 =	vimm.s32 $0x0  }
0x25: {  	v0 =	vperm.xlane v0, v1;
	v1 =	vmul.u32 $0x8, v2;
	_ =	sdelay $0x1  }
0x26: {  	v0 =	vadd.s32 v1, v0;
	_ =	sdelay $0x3  }
0x27: {  	vm0 =	vmmov $0xffff;
	s11 =	simm.s32 $0x200  }
0x28: {  	[tilespmem:s11], [sflag:$0x1] =	stream.indirect_vreg.gather [hbm4b:s7+s2], $0x80, v0, vm0, $0xb8;
	[tilespmem:$0x4480] =	vst v63  }
0x29: {  	s12 =	sadd.s32 $0x800, s7;
	s13 =	simm.s32 $0xA00  }
0x2a: {  	[tilespmem:s13], [sflag:$0x1] =	stream.indirect_vreg.gather [hbm4b:s12+s2], $0x80, v0, vm0, $0xb8;
	[tilespmem:$0x4480] =	vst v63  }
0x2b: {  	s14 =	sadd.s32 $0x1000, s7;
	s15 =	simm.s32 $0x1200  }
0x2c: {  	[tilespmem:s15], [sflag:$0x1] =	stream.indirect_vreg.gather [hbm4b:s14+s2], $0x80, v0, vm0, $0xb8;
	[tilespmem:$0x4480] =	vst v63  }
0x2d: {  	s16 =	sadd.s32 $0x1800, s7;
	s17 =	simm.s32 $0x1A00  }
0x2e: {  	[tilespmem:s17], [sflag:$0x1] =	stream.indirect_vreg.gather [hbm4b:s16+s2], $0x80, v0, vm0, $0xb8;
	[tilespmem:$0x4480] =	vst v63  }
0x2f: {  	s18 =	sadd.s32 $0x2000, s7;
	s19 =	simm.s32 $0x2200  }
0x30: {  	[tilespmem:s19], [sflag:$0x1] =	stream.indirect_vreg.gather [hbm4b:s18+s2], $0x80, v0, vm0, $0xb8;
	[tilespmem:$0x4480] =	vst v63  }
0x31: {  	s20 =	sadd.s32 $0x2800, s7;
	s21 =	simm.s32 $0x2A00  }
0x32: {  	[tilespmem:s21], [sflag:$0x1] =	stream.indirect_vreg.gather [hbm4b:s20+s2], $0x80, v0, vm0, $0xb8;
	[tilespmem:$0x4480] =	vst v63  }
0x33: {  	s22 =	sadd.s32 $0x3000, s7;
	s23 =	simm.s32 $0x3200  }
0x34: {  	[tilespmem:s23], [sflag:$0x1] =	stream.indirect_vreg.gather [hbm4b:s22+s2], $0x80, v0, vm0, $0xb8;
	[tilespmem:$0x4480] =	vst v63  }
0x35: {  	s24 =	sadd.s32 $0x3800, s7;
	s25 =	simm.s32 $0x3A00  }
0x36: {  	[tilespmem:s25], [sflag:$0x1] =	stream.indirect_vreg.gather [hbm4b:s24+s2], $0x80, v0, vm0, $0xb8;
	[tilespmem:$0x4480] =	vst v63  }
0x37: {  	s26 =	simm.s32 $0x4200  }
0x38: {  	[tilespmem:s26], [sflag:$0x1] =	stream.indirect.gather [hbm4b:s6+s3], $0x80, s9, s3, $0xb8;
	[tilespmem:$0x4480] =	vst v63  }
0x39: {  	s28 =	simm.s32 $0x4280  }
0x3a: {  	[tilespmem:s28], [sflag:$0x1] =	stream.indirect.gather [hbm4b:s5+s3], $0x1, s2, s3, $0xb8;
	[tilespmem:$0x4480] =	vst v63  }
0x3b: {  	s29 =	simm.s32 $0x4300  }
0x3c: {  	[tilespmem:s29], [sflag:$0x1] =	stream.indirect.gather [hbm4b:s4+s3], $0x1, s31, s3, $0xb8;
	[tilespmem:$0x4480] =	vst v63  }
0x3d: {  	s30 =	sadd.s32 $0x3200, s5;
	s31 =	simm.s32 $0x4380  }
0x3e: {  	[tilespmem:s31], [sflag:$0x1] =	stream.indirect.gather [hbm4b:s30+s3], $0x1, s9, s3, $0xb8;
	[tilespmem:$0x4480] =	vst v63  }
0x3f: {  	_ =	swait.ge [sflag:s3], $0x80  }
0x40: {  	[sflag:s3] =	ssyncset.done $0x0  }
0x41: {  	[sflag:s3] =	ssyncadd.s32 $0xFFFFFF80  }
0x42: {  	_ =	swait.ge [sflag:s3], $0x4000  }
0x43: {  	[sflag:s3] =	ssyncset.done $0x0  }
0x44: {  	[sflag:s3] =	ssyncadd.s32 $0xFFFFC000  }
0x45: {  	_ =	swait.ge [sflag:s3], $0x80  }
0x46: {  	[sflag:s3] =	ssyncset.done $0x0  }
0x47: {  	[sflag:s3] =	ssyncadd.s32 $0xFFFFFF80  }
0x48: {  	_ =	swait.ge [sflag:s3], $0x1  }
0x49: {  	[sflag:s3] =	ssyncset.done $0x0  }
0x4a: {  	[sflag:s3] =	ssyncadd.s32 $0xFFFFFFFF  }
0x4b: {  	_ =	swait.ge [sflag:s3], $0x1  }
0x4c: {  	[sflag:s3] =	ssyncset.done $0x0  }
0x4d: {  	[sflag:s3] =	ssyncadd.s32 $0xFFFFFFFF  }
0x4e: {  	v6 =	vimm.f32 $0.0e+00;
	v3 =	vimm.f32 $0.0e+00;
	_ =	swait.ge [sflag:s3], $0x1  }
0x4f: {  	v4 =	vimm.f32 $0.0e+00;
	v5 =	vimm.f32 $0.0e+00;
	v8 =	vimm.f32 $0.0e+00;
	[sflag:s3] =	ssyncset.done $0x0  }
0x50: {  	v2 =	vimm.f32 $0.0e+00;
	v1 =	vimm.f32 $0.0e+00;
	v0 =	vimm.f32 $0.0e+00;
	s4 =	simm.s32 $0x0;
	[sflag:s3] =	ssyncadd.s32 $0xFFFFFFFF;
	s3 =	simm.s32 $0x240  }
.LBB2_2:
0x51: {  	s5 =	sshll.u32 s4, $0x4  }
0x52: {  	v7 =	vld [tilespmem:s5+$0x180]  }
0x53: {  	v10 =	vld [tilespmem:s3+$0x30]  }
0x54: {  	v12 =	vld [tilespmem:s3+$0xFFFFFFC0]  }
0x55: {  	v13 =	vld [tilespmem:s3+$0xFFFFFFD0]  }
0x56: {  	v9 =	vmov s2;
	v16 =	vld [tilespmem:s3+$0xFFFFFFE0]  }
0x57: {  	v14 =	vld [tilespmem:s3+$0xFFFFFFF0];
	v9 =	vperm.xlane v7, v9  }
0x58: {  	v11 =	vld [tilespmem:s3+$0x0]  }
0x59: {  	v17 =	vmul.f32 v10, v9;
	v18 =	vmul.f32 v12, v9;
	v10 =	vld [tilespmem:s3+$0x10]  }
0x5a: {  	s5 =	sadd.s32 $0x80, s3;
	v15 =	vmul.f32 v13, v9;
	v12 =	vld [tilespmem:s3+$0x20]  }
0x5b: {  	s6 =	simm.s32 $0x1;
	s7 =	simm.s32 $0x2;
	v13 =	vld [tilespmem:s5+$0x30];
	v16 =	vmul.f32 v16, v9;
	v6 =	vadd.f32 v17, v6;
	v8 =	vadd.f32 v18, v8  }
.LBB2_3:
0x5c: {  	p0 =	sne.s32 s7, $0xF;
	v17 =	vld [tilespmem:s5+$0xFFFFFFC0];
	v5 =	vadd.f32 v15, v5;
	v14 =	vmul.f32 v14, v9  }
0x5d: {  	v15 =	vmov s6;
	s6 =	smov.u32 s7;
	v18 =	vld [tilespmem:s5+$0xFFFFFFD0];
	v4 =	vadd.f32 v16, v4;
	v11 =	vmul.f32 v11, v9  }
0x5e: {  	v15 =	vperm.xlane v7, v15;
	v16 =	vld [tilespmem:s5+$0xFFFFFFE0];
	v3 =	vadd.f32 v14, v3;
	v10 =	vmul.f32 v10, v9  }
.Ltmp0:
0x5f: {  	v14 =	vld [tilespmem:s5+$0xFFFFFFF0];
	v2 =	vadd.f32 v11, v2;
	v12 =	vmul.f32 v12, v9;
	(pc) =	sbr.rel @p0 .LBB2_3-.Ltmp0, $4  }
0x60: {  	v9 =	vmov v15;
	v11 =	vld [tilespmem:s5+$0x0];
	v13 =	vmul.f32 v13, v15;
	v1 =	vadd.f32 v10, v1  }
0x61: {  	v17 =	vmul.f32 v17, v9;
	v10 =	vld [tilespmem:s5+$0x10];
	v0 =	vadd.f32 v12, v0  }
0x62: {  	v15 =	vmul.f32 v18, v9;
	v12 =	vld [tilespmem:s5+$0x20];
	v6 =	vadd.f32 v13, v6;
	s5 =	sadd.s32 $0x80, s5  }
0x63: {  	s7 =	sadd.s32 $0x1, s7;
	v13 =	vld [tilespmem:s5+$0x30];
	v8 =	vadd.f32 v17, v8;
	v16 =	vmul.f32 v16, v9  }
0x64: {  	v17 =	vld [tilespmem:s5+$0xFFFFFFC0]  }
0x65: {  	v18 =	vld [tilespmem:s5+$0xFFFFFFD0]  }
0x66: {  	v19 =	vld [tilespmem:s5+$0xFFFFFFE0]  }
0x67: {  	v20 =	vld [tilespmem:s5+$0xFFFFFFF0]  }
0x68: {  	v14 =	vmul.f32 v14, v9;
	v60 =	vmov s6;
	v21 =	vld [tilespmem:s5+$0x0]  }
0x69: {  	v61 =	vld [tilespmem:s5+$0x10];
	v11 =	vmul.f32 v11, v9;
	v7 =	vperm.xlane v7, v60  }
0x6a: {  	v5 =	vadd.f32 v15, v5;
	v62 =	vld [tilespmem:s5+$0x20];
	v10 =	vmul.f32 v10, v9;
	v9 =	vmul.f32 v12, v9  }
0x6b: {  	v4 =	vadd.f32 v16, v4;
	v2 =	vadd.f32 v11, v2;
	v11 =	vmul.f32 v13, v7  }
0x6c: {  	v1 =	vadd.f32 v10, v1;
	v0 =	vadd.f32 v9, v0;
	v9 =	vmul.f32 v18, v7  }
0x6d: {  	v63 =	vmul.f32 v17, v7;
	v10 =	vmul.f32 v19, v7;
	v6 =	vadd.f32 v11, v6  }
0x6e: {  	v11 =	vmul.f32 v21, v7;
	v5 =	vadd.f32 v9, v5;
	v9 =	vmul.f32 v20, v7  }
0x6f: {  	s4 =	sadd.s32 $0x1, s4;
	v4 =	vadd.f32 v10, v4;
	v10 =	vmul.f32 v61, v7;
	v7 =	vmul.f32 v62, v7  }
0x70: {  	p0 =	sne.s32 s4, $0x8  }
0x71: {  	v3 =	vadd.f32 v14, v3;
	v0 =	vadd.f32 v7, v0;
	v7 =	vld @!p0 [tilespmem:$0x4200];
	_ =	sdelay $0x1  }
0x72: {  	v3 =	vadd.f32 v9, v3;
	v9 =	vld @!p0 [tilespmem:$0x4210]  }
0x73: {  	v8 =	vadd.f32 v63, v8  }
0x74: {  	v1 =	vadd.f32 v10, v1;
	v10 =	vld @!p0 [tilespmem:$0x4220]  }
0x75: {  	v7 =	vmul.f32 @!p0 v7, v8  }
0x76: {  	v8 =	vld @!p0 [tilespmem:$0x4230]  }
0x77: {  	v5 =	vmul.f32 @!p0 v9, v5;
	v7 =	vadd.f32 @!p0 $0.0e+00, v7  }
0x78: {  	v9 =	vld @!p0 [tilespmem:$0x4240]  }
0x79: {  	v4 =	vmul.f32 @!p0 v10, v4;
	v5 =	vadd.f32 @!p0 v5, v7  }
0x7a: {  	v2 =	vadd.f32 v11, v2;
	v7 =	vld @!p0 [tilespmem:$0x4250]  }
0x7b: {  	v3 =	vmul.f32 @!p0 v8, v3;
	v8 =	vld @!p0 [tilespmem:$0x4280];
	v4 =	vadd.f32 @!p0 v4, v5  }
0x7c: {  	v5 =	vld @!p0 [tilespmem:$0x4260]  }
0x7d: {  	v2 =	vmul.f32 @!p0 v9, v2;
	v3 =	vadd.f32 @!p0 v3, v4;
	v4 =	vld @!p0 [tilespmem:$0x4300]  }
0x7e: {  	v9 =	vld @!p0 [tilespmem:$0x4270]  }
0x7f: {  	v1 =	vmul.f32 @!p0 v7, v1;
	v2 =	vadd.f32 @!p0 v2, v3;
	v3 =	vld @!p0 [tilespmem:$0x4380];
	_ =	sdelay $0x1  }
0x80: {  	v0 =	vmul.f32 @!p0 v5, v0;
	v1 =	vadd.f32 @!p0 v1, v2  }
0x81: {  	v2 =	vadd.f32 @!p0 v4, v8  }
0x82: {  	v0 =	vadd.f32 @!p0 v0, v1;
	v1 =	vmul.f32 @!p0 v9, v6  }
0x83: {  	v2 =	vadd.f32 @!p0 v3, v2  }
0x84: {  	vm0 =	vmmov @!p0 $0x1;
	v0 =	vadd.f32 @!p0 v1, v0  }
0x85: {  	v1 =	vnsel @!p0 vm0, $0x0, v2  }
0x86: {  	v0 =	vadd.f32 @!p0 v1, v0;
	_ =	sdelay $0x1  }
0x87: {  	(xrf2) =	vadd.scan.msk.f32 @!p0 $0xffff, v0;
	_ =	sdelay $0x9  }
0x88: {  	v0, _, _ =	vpop @!p0 (xrf2)  }
0x89: {  	v0 =	vsub.f32 @!p0 $0.0e+00, v0;
	_ =	sdelay $0x1  }
0x8a: {  	v0 =	vmul.f32 @!p0 $1.442695020e+00, v0;
	_ =	sdelay $0x1  }
0x8b: {  	v0 =	vbroadcast @!p0 v0, $0xF;
	_ =	sdelay $0x1  }
0x8c: {  	(erf) = vpow2.f32 @!p0 v0;
	_ =	sdelay $0x8  }
0x8d: {  	v0 =	vpop @!p0 (erf)  }
0x8e: {  	v0 =	vadd.f32 @!p0 $1.000000000e+00, v0;
	_ =	sdelay $0x1  }
0x8f: {  	(erf) = vrcp.f32 @!p0 v0;
	_ =	sdelay $0x8  }
0x90: {  	s3 =	sadd.s32 $0x800, s3;
	v0 =	vpop @!p0 (erf)  }
0x91: {  	s2 =	simm.s32 @!p0 $0x0;
	s3 =	simm.s32 @!p0 $0x4400;
	[tilespmem:$0x4400] =	vst @!p0 v0  }
0x92: {  	[hbm4b:s1+s2] =	stream.linear.scatter @!p0 [tilespmem:s3], [sflag:$0x2], $0x1, $0x38;
	[tilespmem:$0x4480] =	vst v63  }
0x93: {  	s1 =	simm.s32 @!p0 $0x2  }
0x94: {  	_ =	swait.ge @!p0 [sflag:s1], $0x1  }
0x95: {  	[sflag:s1] =	ssyncset.done @!p0 $0x0  }
0x96: {  	[sflag:s1] =	ssyncadd.s32 @!p0 $0xFFFFFFFF  }
0x97: {  	_ =	sfence.sel @!p0 $0x180000  }
0x98: {  	[bflag:$0x0] =	sbarrier.arrive @!p0 $0xFFFF  }
0x99: {  	_ =	strace @!p0 $0x90000047  }
0x9a: {  	s0 =	sadd.s32 @!p0 $0x100000, s0;
	[bflag:$0x2] =	sbarrier.arrive @!p0 $0xFFFF  }
0x9b: {  	[sflag:s0] =	ssyncadd.tile.s32 @!p0 $0x1;
	_ =	shalt @!p0  }
.Ltmp1:
0x9c: {  	_ = 	snop;
	(pc) =	sbr.rel .LBB2_2-.Ltmp1, $4  }
0x9d: {  	_ = 	snop  }
0x9e: {  	_ = 	snop  }
0x9f: {  	_ = 	snop  }
0xa0: {  	_ = 	snop  }
.Lfunc_end2:
_tile_overlayer_lowered:
.L_overlay_start_2:
0xa1: {  	(tag) =	ssettag $0x2  }
0xa2: {  	s0 =	rddreg [dreg:$0x0];
	s2 =	stileid.u32  }
0xa3: {  	s1 =	rddreg [dreg:$0x1];
	p0 =	sne.s32 s2, $0x0  }
0xa4: {  	s3 =	rddreg [dreg:$0x2];
	[bflag:$0x3] =	sbarrier.arrive $0xFFFF;
	s2 =	simm.s32 @!p0 $0x1C02  }
0xa5: {  	[timem:s3], [sflag:s2] =	dma.local @!p0 [hbm:s0], s1  }
0xa6: {  	s0 =	simm.s32 @!p0 $0x2  }
0xa7: {  	_ =	swait.ge @!p0 [sflag:s0], s1  }
0xa8: {  	s1 =	ssub.s32 @!p0 $0x0, s1;
	[sflag:s0] =	ssyncset.done @!p0 $0x0  }
0xa9: {  	[sflag:s0] =	ssyncadd.s32 @!p0 s1  }
0xaa: {  	[bflag:$0x3] =	sbarrier.arrive $0xFFFF  }
0xab: {  	_ =	shalt  }

</sc_bundles>
